<compile_context>
chip_gen: v7x
topology: tpu7x:2x2x1
jax: 0.10.2.dev20260603
libtpu: 0.0.44.dev20260713+nightly
codegen_flags: <defaults>
</compile_context>

<pallas_src>
import functools

import jax
import jax.numpy as jnp
from jax import lax
from jax.experimental import pallas as pl
from jax.experimental.pallas import tpu as pltpu
from jax.experimental.pallas import tpu_sc as plsc

PAD_IDX = 0
BATCH = 4096
SEQ = 50
EMBED_DIM = 128
N = BATCH * SEQ

NUM_CORES = 2
NUM_SUBCORES = 16
NW = NUM_CORES * NUM_SUBCORES
PER_W = N // NW
CHUNK = 128
NCHUNK = PER_W // CHUNK


NBUF = 5
NGROUP = NCHUNK // NBUF
LOOKAHEAD = 2


@functools.partial(
    pl.kernel,
    mesh=plsc.VectorSubcoreMesh(core_axis_name="c", subcore_axis_name="s"),
    out_type=jax.ShapeDtypeStruct((N, EMBED_DIM), jnp.float32),
    scratch_types=[
        pltpu.VMEM((PER_W,), jnp.int32),
    ]
    + [pltpu.VMEM((CHUNK, EMBED_DIM), jnp.float32)] * NBUF
    + [pltpu.SemaphoreType.DMA] * (2 * NBUF),
)
def _sc_gather(idx_hbm, table_hbm, out_hbm, idx_v, *bufs_and_sems):
    rows = bufs_and_sems[:NBUF]
    gsem = bufs_and_sems[NBUF:2 * NBUF]
    wsem = bufs_and_sems[2 * NBUF:]
    wid = lax.axis_index("s") * NUM_CORES + lax.axis_index("c")
    base = wid * PER_W
    pltpu.sync_copy(idx_hbm.at[pl.ds(base, PER_W)], idx_v)

    def gather(c, b):
        pltpu.async_copy(
            table_hbm.at[idx_v.at[pl.ds(c * CHUNK, CHUNK)]], rows[b], gsem[b])

    def write(c, b):
        pltpu.async_copy(rows[b], out_hbm.at[pl.ds(base + c * CHUNK, CHUNK)],
                         wsem[b])

    def gather_wait(b):
        pltpu.make_async_copy(
            table_hbm.at[idx_v.at[pl.ds(0, CHUNK)]], rows[b], gsem[b]).wait()

    def write_wait(b):
        pltpu.make_async_copy(
            rows[b], out_hbm.at[pl.ds(0, CHUNK)], wsem[b]).wait()

    for b in range(LOOKAHEAD):
        gather(b, b)

    def group(g, carry):
        for b in range(NBUF):
            c = g * NBUF + b
            gather_wait(b)
            write(c, b)
            nb = (b + LOOKAHEAD) % NBUF
            if b < NBUF - LOOKAHEAD:
                @pl.when(g > 0)
                def _():
                    write_wait(nb)

                gather(c + LOOKAHEAD, nb)
            else:
                @pl.when(g < NGROUP - 1)
                def _():
                    write_wait(nb)
                    gather(c + LOOKAHEAD, nb)
        return carry

    lax.fori_loop(0, NGROUP, group, 0)
    for b in range(NBUF):
        write_wait(b)


def kernel(tokens, table):
    idx = tokens.astype(jnp.int32).T.reshape(N)
    out = _sc_gather(idx, table)
    emb = out.reshape(SEQ, BATCH, EMBED_DIM)
    mask = (tokens != PAD_IDX).T
    return emb, mask

# --- scband reference (transcript-rebuilt; emitter-appended) ---
"""Pipeline reference for scband-numeralize-pad-embed-79912161509921 (READ-ONLY COPY).

The authoritative reference and input builder live on the scoring server;
editing this copy changes nothing except your own understanding.
"""

import jax, jax.numpy as jnp
import numpy as np

PAD_IDX = 0
UNK_IDX = 1
VOCAB = 100002  # max_embeddings + 2 special tokens (pad, unk)
EMBED_DIM = 128
BATCH = 4096
SEQ = 50


def setup_inputs(seed: int = 0) -> dict:
    key = jax.random.key(seed)
    k1, k2 = jax.random.split(key)
    # tokens are pre-numeralized indices into the vocab (0 = pad, 1 = unk, 2.. = real tokens)
    tokens = jax.random.randint(k1, (BATCH, SEQ), 0, VOCAB)
    table = jax.random.normal(k2, (VOCAB, EMBED_DIM), dtype=jnp.float32)
    # torch.nn.Embedding(padding_idx=pad_idx) zero-initializes the padding row
    table = table.at[PAD_IDX].set(0.0)
    return {"tokens": tokens, "table": table}


def reference(tokens, table):
    # NumeralizePadEmbed.forward with batch_first=False (default):
    # embed each token index, produce a padding mask, then put seq dim first.
    mask = tokens != PAD_IDX  # [batch, num_tokens]
    emb = jnp.take(table, tokens, axis=0)  # [batch, num_tokens, embedding_dim]
    # padding_idx semantics: padding positions embed to exactly zero
    emb = emb * mask[..., None].astype(emb.dtype)
    # batch_first=False -> [num_tokens, batch, embedding_dim]
    emb = jnp.transpose(emb, (1, 0, 2))
    mask = jnp.transpose(mask, (1, 0))
    return emb, mask

if __name__ == "__main__":
    import jax
    _d = setup_inputs()
    print(jax.jit(kernel)(*tuple(_d.values())))

</pallas_src>

<mosaic_0001>
#map = affine_map<(d0, d1) -> (0)>
#map1 = affine_map<(d0, d1) -> (0, 0)>
module attributes {stable_mosaic.version = 14 : i64} {
  func.func @_sc_gather(%arg0: i32, %arg1: i32, %arg2: memref<204800xi32, #tpu.memory_space<hbm>>, %arg3: memref<100002x128xf32, #tpu.memory_space<hbm>>, %arg4: memref<204800x128xf32, #tpu.memory_space<hbm>>, %arg5: memref<6400xi32, #tpu.memory_space<vmem>>, %arg6: memref<128x128xf32, #tpu.memory_space<vmem>>, %arg7: memref<128x128xf32, #tpu.memory_space<vmem>>, %arg8: memref<128x128xf32, #tpu.memory_space<vmem>>, %arg9: memref<128x128xf32, #tpu.memory_space<vmem>>, %arg10: memref<128x128xf32, #tpu.memory_space<vmem>>, %arg11: memref<!tpu.dma_semaphore, #tpu.memory_space<semaphore_mem>>, %arg12: memref<!tpu.dma_semaphore, #tpu.memory_space<semaphore_mem>>, %arg13: memref<!tpu.dma_semaphore, #tpu.memory_space<semaphore_mem>>, %arg14: memref<!tpu.dma_semaphore, #tpu.memory_space<semaphore_mem>>, %arg15: memref<!tpu.dma_semaphore, #tpu.memory_space<semaphore_mem>>, %arg16: memref<!tpu.dma_semaphore, #tpu.memory_space<semaphore_mem>>, %arg17: memref<!tpu.dma_semaphore, #tpu.memory_space<semaphore_mem>>, %arg18: memref<!tpu.dma_semaphore, #tpu.memory_space<semaphore_mem>>, %arg19: memref<!tpu.dma_semaphore, #tpu.memory_space<semaphore_mem>>, %arg20: memref<!tpu.dma_semaphore, #tpu.memory_space<semaphore_mem>>) attributes {dimension_semantics = [#tpu.dimension_semantics<core_parallel>, #tpu.dimension_semantics<subcore_parallel>], iteration_bounds = array<i64: 2, 16>, scalar_prefetch = 0 : i64, scratch_operands = 16 : i64, tpu.core_type = #tpu.core_type<sc_vector_subcore>, window_params = [{transform_indices = #map}, {transform_indices = #map1}, {transform_indices = #map1}]} {
    %mul3A = arith.constant 2 : i32
    %mul3A_0 = arith.muli %arg1, %mul3A : i32
    %add3A = arith.addi %mul3A_0, %arg0 : i32
    %mul3A_1 = arith.constant 6400 : i32
    %mul3A_2 = arith.muli %add3A, %mul3A_1 : i32
    "tpu.region"() ({
      %run_scoped3A = tpu.sem_alloc : memref<!tpu.dma_semaphore, #tpu.memory_space<semaphore_mem>>
      %dma_start3A_46 = tpu.memref_slice %arg2[%mul3A_2] : memref<204800xi32, #tpu.memory_space<hbm>> -> memref<6400xi32, #tpu.memory_space<hbm>>
      %dma_start3A_47 = tpu.memref_slice %arg2[%mul3A_2] : memref<204800xi32, #tpu.memory_space<hbm>> -> memref<6400xi32, #tpu.memory_space<hbm>>
      tpu.enqueue_dma source(%dma_start3A_47 : memref<6400xi32, #tpu.memory_space<hbm>>) target(%arg5 : memref<6400xi32, #tpu.memory_space<vmem>>) target_semaphore(%run_scoped3A : memref<!tpu.dma_semaphore, #tpu.memory_space<semaphore_mem>>)
      %dma_wait3A_48 = tpu.memref_slice %arg2[%mul3A_2] : memref<204800xi32, #tpu.memory_space<hbm>> -> memref<6400xi32, #tpu.memory_space<hbm>>
      %dma_wait3A_49 = tpu.memref_slice %arg2[%mul3A_2] : memref<204800xi32, #tpu.memory_space<hbm>> -> memref<6400xi32, #tpu.memory_space<hbm>>
      tpu.wait_dma2 semaphore(%run_scoped3A : memref<!tpu.dma_semaphore, #tpu.memory_space<semaphore_mem>>) src(%dma_wait3A_49 : memref<6400xi32, #tpu.memory_space<hbm>>) dst(%arg5 : memref<6400xi32, #tpu.memory_space<vmem>>)
      tpu.yield
    }) : () -> ()
    %dma_start3A = arith.constant 0 : i32
    %dma_start3A_3 = tpu.memref_slice %arg5[%dma_start3A] : memref<6400xi32, #tpu.memory_space<vmem>> -> memref<128xi32, #tpu.memory_space<vmem>>
    %dma_start3A_4 = arith.constant 0 : i32
    %dma_start3A_5 = arith.constant 0 : i32
    %dma_start3A_6 = tpu.memref_slice %arg3[%dma_start3A_4, %dma_start3A_5] : memref<100002x128xf32, #tpu.memory_space<hbm>> -> memref<100002x128xf32, #tpu.memory_space<hbm>>
    tpu.enqueue_indirect_dma source(%dma_start3A_6 : memref<100002x128xf32, #tpu.memory_space<hbm>>) target(%arg6 : memref<128x128xf32, #tpu.memory_space<vmem>>) offsets(%dma_start3A_3 : memref<128xi32, #tpu.memory_space<vmem>>) semaphore(%arg11 : memref<!tpu.dma_semaphore, #tpu.memory_space<semaphore_mem>>)
    %dma_start3A_7 = arith.constant 128 : i32
    %dma_start3A_8 = tpu.memref_slice %arg5[%dma_start3A_7] : memref<6400xi32, #tpu.memory_space<vmem>> -> memref<128xi32, #tpu.memory_space<vmem>>
    %dma_start3A_9 = arith.constant 0 : i32
    %dma_start3A_10 = arith.constant 0 : i32
    %dma_start3A_11 = tpu.memref_slice %arg3[%dma_start3A_9, %dma_start3A_10] : memref<100002x128xf32, #tpu.memory_space<hbm>> -> memref<100002x128xf32, #tpu.memory_space<hbm>>
    tpu.enqueue_indirect_dma source(%dma_start3A_11 : memref<100002x128xf32, #tpu.memory_space<hbm>>) target(%arg7 : memref<128x128xf32, #tpu.memory_space<vmem>>) offsets(%dma_start3A_8 : memref<128xi32, #tpu.memory_space<vmem>>) semaphore(%arg12 : memref<!tpu.dma_semaphore, #tpu.memory_space<semaphore_mem>>)
    %scan3A = arith.constant 0 : i32
    %scan3A_12 = arith.constant 0 : i32
    %scan3A_13 = arith.constant 10 : i32
    %scan3A_14 = arith.addi %scan3A_12, %scan3A_13 : i32
    %scan3A_15 = arith.constant 1 : i32
    scf.for %scan3A_46 = %scan3A_12 to %scan3A_14 step %scan3A_15  : i32 {
      %mul3A_47 = arith.constant 5 : i32
      %mul3A_48 = arith.muli %scan3A_46, %mul3A_47 : i32
      %add3A_49 = arith.constant 0 : i32
      %add3A_50 = arith.addi %mul3A_48, %add3A_49 : i32
      %dma_wait3A_51 = arith.constant 0 : i32
      %dma_wait3A_52 = tpu.memref_slice %arg5[%dma_wait3A_51] : memref<6400xi32, #tpu.memory_space<vmem>> -> memref<128xi32, #tpu.memory_space<vmem>>
      %dma_wait3A_53 = arith.constant 0 : i32
      %dma_wait3A_54 = arith.constant 0 : i32
      %dma_wait3A_55 = tpu.memref_slice %arg3[%dma_wait3A_53, %dma_wait3A_54] : memref<100002x128xf32, #tpu.memory_space<hbm>> -> memref<100002x128xf32, #tpu.memory_space<hbm>>
      tpu.wait_indirect_dma semaphore(%arg11 : memref<!tpu.dma_semaphore, #tpu.memory_space<semaphore_mem>>) src(%dma_wait3A_55 : memref<100002x128xf32, #tpu.memory_space<hbm>>) dst(%arg6 : memref<128x128xf32, #tpu.memory_space<vmem>>)
      %mul3A_56 = arith.constant 128 : i32
      %mul3A_57 = arith.muli %add3A_50, %mul3A_56 : i32
      %add3A_58 = arith.addi %mul3A_2, %mul3A_57 : i32
      %dma_start3A_59 = arith.constant 0 : i32
      %dma_start3A_60 = tpu.memref_slice %arg4[%add3A_58, %dma_start3A_59] : memref<204800x128xf32, #tpu.memory_space<hbm>> -> memref<128x128xf32, #tpu.memory_space<hbm>>
      %dma_start3A_61 = arith.constant 0 : i32
      %dma_start3A_62 = tpu.memref_slice %arg4[%add3A_58, %dma_start3A_61] : memref<204800x128xf32, #tpu.memory_space<hbm>> -> memref<128x128xf32, #tpu.memory_space<hbm>>
      tpu.enqueue_dma source(%arg6 : memref<128x128xf32, #tpu.memory_space<vmem>>) target(%dma_start3A_62 : memref<128x128xf32, #tpu.memory_space<hbm>>) target_semaphore(%arg16 : memref<!tpu.dma_semaphore, #tpu.memory_space<semaphore_mem>>)
      %gt3A = arith.constant 0 : i32
      %gt3A_63 = arith.cmpi sgt, %scan3A_46, %gt3A : i32
      %convert_element_type3A = arith.extui %gt3A_63 : i1 to i32
      %cond3A = arith.constant 0 : i32
      %cond3A_64 = arith.cmpi ne, %convert_element_type3A, %cond3A : i32
      scf.if %cond3A_64 {
        %dma_wait3A_172 = arith.constant 0 : i32
        %dma_wait3A_173 = arith.constant 0 : i32
        %dma_wait3A_174 = tpu.memref_slice %arg4[%dma_wait3A_172, %dma_wait3A_173] : memref<204800x128xf32, #tpu.memory_space<hbm>> -> memref<128x128xf32, #tpu.memory_space<hbm>>
        %dma_wait3A_175 = arith.constant 0 : i32
        %dma_wait3A_176 = arith.constant 0 : i32
        %dma_wait3A_177 = tpu.memref_slice %arg4[%dma_wait3A_175, %dma_wait3A_176] : memref<204800x128xf32, #tpu.memory_space<hbm>> -> memref<128x128xf32, #tpu.memory_space<hbm>>
        tpu.wait_dma2 semaphore(%arg18 : memref<!tpu.dma_semaphore, #tpu.memory_space<semaphore_mem>>) src(%arg8 : memref<128x128xf32, #tpu.memory_space<vmem>>) dst(%dma_wait3A_177 : memref<128x128xf32, #tpu.memory_space<hbm>>)
      } else {
      }
      %add3A_65 = arith.constant 2 : i32
      %add3A_66 = arith.addi %add3A_50, %add3A_65 : i32
      %mul3A_67 = arith.constant 128 : i32
      %mul3A_68 = arith.muli %add3A_66, %mul3A_67 : i32
      %dma_start3A_69 = tpu.memref_slice %arg5[%mul3A_68] : memref<6400xi32, #tpu.memory_space<vmem>> -> memref<128xi32, #tpu.memory_space<vmem>>
      %dma_start3A_70 = arith.constant 0 : i32
      %dma_start3A_71 = arith.constant 0 : i32
      %dma_start3A_72 = tpu.memref_slice %arg3[%dma_start3A_70, %dma_start3A_71] : memref<100002x128xf32, #tpu.memory_space<hbm>> -> memref<100002x128xf32, #tpu.memory_space<hbm>>
      tpu.enqueue_indirect_dma source(%dma_start3A_72 : memref<100002x128xf32, #tpu.memory_space<hbm>>) target(%arg8 : memref<128x128xf32, #tpu.memory_space<vmem>>) offsets(%dma_start3A_69 : memref<128xi32, #tpu.memory_space<vmem>>) semaphore(%arg13 : memref<!tpu.dma_semaphore, #tpu.memory_space<semaphore_mem>>)
      %mul3A_73 = arith.constant 5 : i32
      %mul3A_74 = arith.muli %scan3A_46, %mul3A_73 : i32
      %add3A_75 = arith.constant 1 : i32
      %add3A_76 = arith.addi %mul3A_74, %add3A_75 : i32
      %dma_wait3A_77 = arith.constant 0 : i32
      %dma_wait3A_78 = tpu.memref_slice %arg5[%dma_wait3A_77] : memref<6400xi32, #tpu.memory_space<vmem>> -> memref<128xi32, #tpu.memory_space<vmem>>
      %dma_wait3A_79 = arith.constant 0 : i32
      %dma_wait3A_80 = arith.constant 0 : i32
      %dma_wait3A_81 = tpu.memref_slice %arg3[%dma_wait3A_79, %dma_wait3A_80] : memref<100002x128xf32, #tpu.memory_space<hbm>> -> memref<100002x128xf32, #tpu.memory_space<hbm>>
      tpu.wait_indirect_dma semaphore(%arg12 : memref<!tpu.dma_semaphore, #tpu.memory_space<semaphore_mem>>) src(%dma_wait3A_81 : memref<100002x128xf32, #tpu.memory_space<hbm>>) dst(%arg7 : memref<128x128xf32, #tpu.memory_space<vmem>>)
      %mul3A_82 = arith.constant 128 : i32
      %mul3A_83 = arith.muli %add3A_76, %mul3A_82 : i32
      %add3A_84 = arith.addi %mul3A_2, %mul3A_83 : i32
      %dma_start3A_85 = arith.constant 0 : i32
      %dma_start3A_86 = tpu.memref_slice %arg4[%add3A_84, %dma_start3A_85] : memref<204800x128xf32, #tpu.memory_space<hbm>> -> memref<128x128xf32, #tpu.memory_space<hbm>>
      %dma_start3A_87 = arith.constant 0 : i32
      %dma_start3A_88 = tpu.memref_slice %arg4[%add3A_84, %dma_start3A_87] : memref<204800x128xf32, #tpu.memory_space<hbm>> -> memref<128x128xf32, #tpu.memory_space<hbm>>
      tpu.enqueue_dma source(%arg7 : memref<128x128xf32, #tpu.memory_space<vmem>>) target(%dma_start3A_88 : memref<128x128xf32, #tpu.memory_space<hbm>>) target_semaphore(%arg17 : memref<!tpu.dma_semaphore, #tpu.memory_space<semaphore_mem>>)
      %gt3A_89 = arith.constant 0 : i32
      %gt3A_90 = arith.cmpi sgt, %scan3A_46, %gt3A_89 : i32
      %convert_element_type3A_91 = arith.extui %gt3A_90 : i1 to i32
      %cond3A_92 = arith.constant 0 : i32
      %cond3A_93 = arith.cmpi ne, %convert_element_type3A_91, %cond3A_92 : i32
      scf.if %cond3A_93 {
        %dma_wait3A_172 = arith.constant 0 : i32
        %dma_wait3A_173 = arith.constant 0 : i32
        %dma_wait3A_174 = tpu.memref_slice %arg4[%dma_wait3A_172, %dma_wait3A_173] : memref<204800x128xf32, #tpu.memory_space<hbm>> -> memref<128x128xf32, #tpu.memory_space<hbm>>
        %dma_wait3A_175 = arith.constant 0 : i32
        %dma_wait3A_176 = arith.constant 0 : i32
        %dma_wait3A_177 = tpu.memref_slice %arg4[%dma_wait3A_175, %dma_wait3A_176] : memref<204800x128xf32, #tpu.memory_space<hbm>> -> memref<128x128xf32, #tpu.memory_space<hbm>>
        tpu.wait_dma2 semaphore(%arg19 : memref<!tpu.dma_semaphore, #tpu.memory_space<semaphore_mem>>) src(%arg9 : memref<128x128xf32, #tpu.memory_space<vmem>>) dst(%dma_wait3A_177 : memref<128x128xf32, #tpu.memory_space<hbm>>)
      } else {
      }
      %add3A_94 = arith.constant 2 : i32
      %add3A_95 = arith.addi %add3A_76, %add3A_94 : i32
      %mul3A_96 = arith.constant 128 : i32
      %mul3A_97 = arith.muli %add3A_95, %mul3A_96 : i32
      %dma_start3A_98 = tpu.memref_slice %arg5[%mul3A_97] : memref<6400xi32, #tpu.memory_space<vmem>> -> memref<128xi32, #tpu.memory_space<vmem>>
      %dma_start3A_99 = arith.constant 0 : i32
      %dma_start3A_100 = arith.constant 0 : i32
      %dma_start3A_101 = tpu.memref_slice %arg3[%dma_start3A_99, %dma_start3A_100] : memref<100002x128xf32, #tpu.memory_space<hbm>> -> memref<100002x128xf32, #tpu.memory_space<hbm>>
      tpu.enqueue_indirect_dma source(%dma_start3A_101 : memref<100002x128xf32, #tpu.memory_space<hbm>>) target(%arg9 : memref<128x128xf32, #tpu.memory_space<vmem>>) offsets(%dma_start3A_98 : memref<128xi32, #tpu.memory_space<vmem>>) semaphore(%arg14 : memref<!tpu.dma_semaphore, #tpu.memory_space<semaphore_mem>>)
      %mul3A_102 = arith.constant 5 : i32
      %mul3A_103 = arith.muli %scan3A_46, %mul3A_102 : i32
      %add3A_104 = arith.constant 2 : i32
      %add3A_105 = arith.addi %mul3A_103, %add3A_104 : i32
      %dma_wait3A_106 = arith.constant 0 : i32
      %dma_wait3A_107 = tpu.memref_slice %arg5[%dma_wait3A_106] : memref<6400xi32, #tpu.memory_space<vmem>> -> memref<128xi32, #tpu.memory_space<vmem>>
      %dma_wait3A_108 = arith.constant 0 : i32
      %dma_wait3A_109 = arith.constant 0 : i32
      %dma_wait3A_110 = tpu.memref_slice %arg3[%dma_wait3A_108, %dma_wait3A_109] : memref<100002x128xf32, #tpu.memory_space<hbm>> -> memref<100002x128xf32, #tpu.memory_space<hbm>>
      tpu.wait_indirect_dma semaphore(%arg13 : memref<!tpu.dma_semaphore, #tpu.memory_space<semaphore_mem>>) src(%dma_wait3A_110 : memref<100002x128xf32, #tpu.memory_space<hbm>>) dst(%arg8 : memref<128x128xf32, #tpu.memory_space<vmem>>)
      %mul3A_111 = arith.constant 128 : i32
      %mul3A_112 = arith.muli %add3A_105, %mul3A_111 : i32
      %add3A_113 = arith.addi %mul3A_2, %mul3A_112 : i32
      %dma_start3A_114 = arith.constant 0 : i32
      %dma_start3A_115 = tpu.memref_slice %arg4[%add3A_113, %dma_start3A_114] : memref<204800x128xf32, #tpu.memory_space<hbm>> -> memref<128x128xf32, #tpu.memory_space<hbm>>
      %dma_start3A_116 = arith.constant 0 : i32
      %dma_start3A_117 = tpu.memref_slice %arg4[%add3A_113, %dma_start3A_116] : memref<204800x128xf32, #tpu.memory_space<hbm>> -> memref<128x128xf32, #tpu.memory_space<hbm>>
      tpu.enqueue_dma source(%arg8 : memref<128x128xf32, #tpu.memory_space<vmem>>) target(%dma_start3A_117 : memref<128x128xf32, #tpu.memory_space<hbm>>) target_semaphore(%arg18 : memref<!tpu.dma_semaphore, #tpu.memory_space<semaphore_mem>>)
      %gt3A_118 = arith.constant 0 : i32
      %gt3A_119 = arith.cmpi sgt, %scan3A_46, %gt3A_118 : i32
      %convert_element_type3A_120 = arith.extui %gt3A_119 : i1 to i32
      %cond3A_121 = arith.constant 0 : i32
      %cond3A_122 = arith.cmpi ne, %convert_element_type3A_120, %cond3A_121 : i32
      scf.if %cond3A_122 {
        %dma_wait3A_172 = arith.constant 0 : i32
        %dma_wait3A_173 = arith.constant 0 : i32
        %dma_wait3A_174 = tpu.memref_slice %arg4[%dma_wait3A_172, %dma_wait3A_173] : memref<204800x128xf32, #tpu.memory_space<hbm>> -> memref<128x128xf32, #tpu.memory_space<hbm>>
        %dma_wait3A_175 = arith.constant 0 : i32
        %dma_wait3A_176 = arith.constant 0 : i32
        %dma_wait3A_177 = tpu.memref_slice %arg4[%dma_wait3A_175, %dma_wait3A_176] : memref<204800x128xf32, #tpu.memory_space<hbm>> -> memref<128x128xf32, #tpu.memory_space<hbm>>
        tpu.wait_dma2 semaphore(%arg20 : memref<!tpu.dma_semaphore, #tpu.memory_space<semaphore_mem>>) src(%arg10 : memref<128x128xf32, #tpu.memory_space<vmem>>) dst(%dma_wait3A_177 : memref<128x128xf32, #tpu.memory_space<hbm>>)
      } else {
      }
      %add3A_123 = arith.constant 2 : i32
      %add3A_124 = arith.addi %add3A_105, %add3A_123 : i32
      %mul3A_125 = arith.constant 128 : i32
      %mul3A_126 = arith.muli %add3A_124, %mul3A_125 : i32
      %dma_start3A_127 = tpu.memref_slice %arg5[%mul3A_126] : memref<6400xi32, #tpu.memory_space<vmem>> -> memref<128xi32, #tpu.memory_space<vmem>>
      %dma_start3A_128 = arith.constant 0 : i32
      %dma_start3A_129 = arith.constant 0 : i32
      %dma_start3A_130 = tpu.memref_slice %arg3[%dma_start3A_128, %dma_start3A_129] : memref<100002x128xf32, #tpu.memory_space<hbm>> -> memref<100002x128xf32, #tpu.memory_space<hbm>>
      tpu.enqueue_indirect_dma source(%dma_start3A_130 : memref<100002x128xf32, #tpu.memory_space<hbm>>) target(%arg10 : memref<128x128xf32, #tpu.memory_space<vmem>>) offsets(%dma_start3A_127 : memref<128xi32, #tpu.memory_space<vmem>>) semaphore(%arg15 : memref<!tpu.dma_semaphore, #tpu.memory_space<semaphore_mem>>)
      %mul3A_131 = arith.constant 5 : i32
      %mul3A_132 = arith.muli %scan3A_46, %mul3A_131 : i32
      %add3A_133 = arith.constant 3 : i32
      %add3A_134 = arith.addi %mul3A_132, %add3A_133 : i32
      %dma_wait3A_135 = arith.constant 0 : i32
      %dma_wait3A_136 = tpu.memref_slice %arg5[%dma_wait3A_135] : memref<6400xi32, #tpu.memory_space<vmem>> -> memref<128xi32, #tpu.memory_space<vmem>>
      %dma_wait3A_137 = arith.constant 0 : i32
      %dma_wait3A_138 = arith.constant 0 : i32
      %dma_wait3A_139 = tpu.memref_slice %arg3[%dma_wait3A_137, %dma_wait3A_138] : memref<100002x128xf32, #tpu.memory_space<hbm>> -> memref<100002x128xf32, #tpu.memory_space<hbm>>
      tpu.wait_indirect_dma semaphore(%arg14 : memref<!tpu.dma_semaphore, #tpu.memory_space<semaphore_mem>>) src(%dma_wait3A_139 : memref<100002x128xf32, #tpu.memory_space<hbm>>) dst(%arg9 : memref<128x128xf32, #tpu.memory_space<vmem>>)
      %mul3A_140 = arith.constant 128 : i32
      %mul3A_141 = arith.muli %add3A_134, %mul3A_140 : i32
      %add3A_142 = arith.addi %mul3A_2, %mul3A_141 : i32
      %dma_start3A_143 = arith.constant 0 : i32
      %dma_start3A_144 = tpu.memref_slice %arg4[%add3A_142, %dma_start3A_143] : memref<204800x128xf32, #tpu.memory_space<hbm>> -> memref<128x128xf32, #tpu.memory_space<hbm>>
      %dma_start3A_145 = arith.constant 0 : i32
      %dma_start3A_146 = tpu.memref_slice %arg4[%add3A_142, %dma_start3A_145] : memref<204800x128xf32, #tpu.memory_space<hbm>> -> memref<128x128xf32, #tpu.memory_space<hbm>>
      tpu.enqueue_dma source(%arg9 : memref<128x128xf32, #tpu.memory_space<vmem>>) target(%dma_start3A_146 : memref<128x128xf32, #tpu.memory_space<hbm>>) target_semaphore(%arg19 : memref<!tpu.dma_semaphore, #tpu.memory_space<semaphore_mem>>)
      %lt3A = arith.constant 9 : i32
      %lt3A_147 = arith.cmpi slt, %scan3A_46, %lt3A : i32
      %convert_element_type3A_148 = arith.extui %lt3A_147 : i1 to i32
      %cond3A_149 = arith.constant 0 : i32
      %cond3A_150 = arith.cmpi ne, %convert_element_type3A_148, %cond3A_149 : i32
      scf.if %cond3A_150 {
        %dma_wait3A_172 = arith.constant 0 : i32
        %dma_wait3A_173 = arith.constant 0 : i32
        %dma_wait3A_174 = tpu.memref_slice %arg4[%dma_wait3A_172, %dma_wait3A_173] : memref<204800x128xf32, #tpu.memory_space<hbm>> -> memref<128x128xf32, #tpu.memory_space<hbm>>
        %dma_wait3A_175 = arith.constant 0 : i32
        %dma_wait3A_176 = arith.constant 0 : i32
        %dma_wait3A_177 = tpu.memref_slice %arg4[%dma_wait3A_175, %dma_wait3A_176] : memref<204800x128xf32, #tpu.memory_space<hbm>> -> memref<128x128xf32, #tpu.memory_space<hbm>>
        tpu.wait_dma2 semaphore(%arg16 : memref<!tpu.dma_semaphore, #tpu.memory_space<semaphore_mem>>) src(%arg6 : memref<128x128xf32, #tpu.memory_space<vmem>>) dst(%dma_wait3A_177 : memref<128x128xf32, #tpu.memory_space<hbm>>)
        %add3A_178 = arith.constant 2 : i32
        %add3A_179 = arith.addi %add3A_134, %add3A_178 : i32
        %mul3A_180 = arith.constant 128 : i32
        %mul3A_181 = arith.muli %add3A_179, %mul3A_180 : i32
        %dma_start3A_182 = tpu.memref_slice %arg5[%mul3A_181] : memref<6400xi32, #tpu.memory_space<vmem>> -> memref<128xi32, #tpu.memory_space<vmem>>
        %dma_start3A_183 = arith.constant 0 : i32
        %dma_start3A_184 = arith.constant 0 : i32
        %dma_start3A_185 = tpu.memref_slice %arg3[%dma_start3A_183, %dma_start3A_184] : memref<100002x128xf32, #tpu.memory_space<hbm>> -> memref<100002x128xf32, #tpu.memory_space<hbm>>
        tpu.enqueue_indirect_dma source(%dma_start3A_185 : memref<100002x128xf32, #tpu.memory_space<hbm>>) target(%arg6 : memref<128x128xf32, #tpu.memory_space<vmem>>) offsets(%dma_start3A_182 : memref<128xi32, #tpu.memory_space<vmem>>) semaphore(%arg11 : memref<!tpu.dma_semaphore, #tpu.memory_space<semaphore_mem>>)
      } else {
      }
      %mul3A_151 = arith.constant 5 : i32
      %mul3A_152 = arith.muli %scan3A_46, %mul3A_151 : i32
      %add3A_153 = arith.constant 4 : i32
      %add3A_154 = arith.addi %mul3A_152, %add3A_153 : i32
      %dma_wait3A_155 = arith.constant 0 : i32
      %dma_wait3A_156 = tpu.memref_slice %arg5[%dma_wait3A_155] : memref<6400xi32, #tpu.memory_space<vmem>> -> memref<128xi32, #tpu.memory_space<vmem>>
      %dma_wait3A_157 = arith.constant 0 : i32
      %dma_wait3A_158 = arith.constant 0 : i32
      %dma_wait3A_159 = tpu.memref_slice %arg3[%dma_wait3A_157, %dma_wait3A_158] : memref<100002x128xf32, #tpu.memory_space<hbm>> -> memref<100002x128xf32, #tpu.memory_space<hbm>>
      tpu.wait_indirect_dma semaphore(%arg15 : memref<!tpu.dma_semaphore, #tpu.memory_space<semaphore_mem>>) src(%dma_wait3A_159 : memref<100002x128xf32, #tpu.memory_space<hbm>>) dst(%arg10 : memref<128x128xf32, #tpu.memory_space<vmem>>)
      %mul3A_160 = arith.constant 128 : i32
      %mul3A_161 = arith.muli %add3A_154, %mul3A_160 : i32
      %add3A_162 = arith.addi %mul3A_2, %mul3A_161 : i32
      %dma_start3A_163 = arith.constant 0 : i32
      %dma_start3A_164 = tpu.memref_slice %arg4[%add3A_162, %dma_start3A_163] : memref<204800x128xf32, #tpu.memory_space<hbm>> -> memref<128x128xf32, #tpu.memory_space<hbm>>
      %dma_start3A_165 = arith.constant 0 : i32
      %dma_start3A_166 = tpu.memref_slice %arg4[%add3A_162, %dma_start3A_165] : memref<204800x128xf32, #tpu.memory_space<hbm>> -> memref<128x128xf32, #tpu.memory_space<hbm>>
      tpu.enqueue_dma source(%arg10 : memref<128x128xf32, #tpu.memory_space<vmem>>) target(%dma_start3A_166 : memref<128x128xf32, #tpu.memory_space<hbm>>) target_semaphore(%arg20 : memref<!tpu.dma_semaphore, #tpu.memory_space<semaphore_mem>>)
      %lt3A_167 = arith.constant 9 : i32
      %lt3A_168 = arith.cmpi slt, %scan3A_46, %lt3A_167 : i32
      %convert_element_type3A_169 = arith.extui %lt3A_168 : i1 to i32
      %cond3A_170 = arith.constant 0 : i32
      %cond3A_171 = arith.cmpi ne, %convert_element_type3A_169, %cond3A_170 : i32
      scf.if %cond3A_171 {
        %dma_wait3A_172 = arith.constant 0 : i32
        %dma_wait3A_173 = arith.constant 0 : i32
        %dma_wait3A_174 = tpu.memref_slice %arg4[%dma_wait3A_172, %dma_wait3A_173] : memref<204800x128xf32, #tpu.memory_space<hbm>> -> memref<128x128xf32, #tpu.memory_space<hbm>>
        %dma_wait3A_175 = arith.constant 0 : i32
        %dma_wait3A_176 = arith.constant 0 : i32
        %dma_wait3A_177 = tpu.memref_slice %arg4[%dma_wait3A_175, %dma_wait3A_176] : memref<204800x128xf32, #tpu.memory_space<hbm>> -> memref<128x128xf32, #tpu.memory_space<hbm>>
        tpu.wait_dma2 semaphore(%arg17 : memref<!tpu.dma_semaphore, #tpu.memory_space<semaphore_mem>>) src(%arg7 : memref<128x128xf32, #tpu.memory_space<vmem>>) dst(%dma_wait3A_177 : memref<128x128xf32, #tpu.memory_space<hbm>>)
        %add3A_178 = arith.constant 2 : i32
        %add3A_179 = arith.addi %add3A_154, %add3A_178 : i32
        %mul3A_180 = arith.constant 128 : i32
        %mul3A_181 = arith.muli %add3A_179, %mul3A_180 : i32
        %dma_start3A_182 = tpu.memref_slice %arg5[%mul3A_181] : memref<6400xi32, #tpu.memory_space<vmem>> -> memref<128xi32, #tpu.memory_space<vmem>>
        %dma_start3A_183 = arith.constant 0 : i32
        %dma_start3A_184 = arith.constant 0 : i32
        %dma_start3A_185 = tpu.memref_slice %arg3[%dma_start3A_183, %dma_start3A_184] : memref<100002x128xf32, #tpu.memory_space<hbm>> -> memref<100002x128xf32, #tpu.memory_space<hbm>>
        tpu.enqueue_indirect_dma source(%dma_start3A_185 : memref<100002x128xf32, #tpu.memory_space<hbm>>) target(%arg7 : memref<128x128xf32, #tpu.memory_space<vmem>>) offsets(%dma_start3A_182 : memref<128xi32, #tpu.memory_space<vmem>>) semaphore(%arg12 : memref<!tpu.dma_semaphore, #tpu.memory_space<semaphore_mem>>)
      } else {
      }
    }
    %scan3A_16 = arith.constant 10 : i32
    %dma_wait3A = arith.constant 0 : i32
    %dma_wait3A_17 = arith.constant 0 : i32
    %dma_wait3A_18 = tpu.memref_slice %arg4[%dma_wait3A, %dma_wait3A_17] : memref<204800x128xf32, #tpu.memory_space<hbm>> -> memref<128x128xf32, #tpu.memory_space<hbm>>
    %dma_wait3A_19 = arith.constant 0 : i32
    %dma_wait3A_20 = arith.constant 0 : i32
    %dma_wait3A_21 = tpu.memref_slice %arg4[%dma_wait3A_19, %dma_wait3A_20] : memref<204800x128xf32, #tpu.memory_space<hbm>> -> memref<128x128xf32, #tpu.memory_space<hbm>>
    tpu.wait_dma2 semaphore(%arg16 : memref<!tpu.dma_semaphore, #tpu.memory_space<semaphore_mem>>) src(%arg6 : memref<128x128xf32, #tpu.memory_space<vmem>>) dst(%dma_wait3A_21 : memref<128x128xf32, #tpu.memory_space<hbm>>)
    %dma_wait3A_22 = arith.constant 0 : i32
    %dma_wait3A_23 = arith.constant 0 : i32
    %dma_wait3A_24 = tpu.memref_slice %arg4[%dma_wait3A_22, %dma_wait3A_23] : memref<204800x128xf32, #tpu.memory_space<hbm>> -> memref<128x128xf32, #tpu.memory_space<hbm>>
    %dma_wait3A_25 = arith.constant 0 : i32
    %dma_wait3A_26 = arith.constant 0 : i32
    %dma_wait3A_27 = tpu.memref_slice %arg4[%dma_wait3A_25, %dma_wait3A_26] : memref<204800x128xf32, #tpu.memory_space<hbm>> -> memref<128x128xf32, #tpu.memory_space<hbm>>
    tpu.wait_dma2 semaphore(%arg17 : memref<!tpu.dma_semaphore, #tpu.memory_space<semaphore_mem>>) src(%arg7 : memref<128x128xf32, #tpu.memory_space<vmem>>) dst(%dma_wait3A_27 : memref<128x128xf32, #tpu.memory_space<hbm>>)
    %dma_wait3A_28 = arith.constant 0 : i32
    %dma_wait3A_29 = arith.constant 0 : i32
    %dma_wait3A_30 = tpu.memref_slice %arg4[%dma_wait3A_28, %dma_wait3A_29] : memref<204800x128xf32, #tpu.memory_space<hbm>> -> memref<128x128xf32, #tpu.memory_space<hbm>>
    %dma_wait3A_31 = arith.constant 0 : i32
    %dma_wait3A_32 = arith.constant 0 : i32
    %dma_wait3A_33 = tpu.memref_slice %arg4[%dma_wait3A_31, %dma_wait3A_32] : memref<204800x128xf32, #tpu.memory_space<hbm>> -> memref<128x128xf32, #tpu.memory_space<hbm>>
    tpu.wait_dma2 semaphore(%arg18 : memref<!tpu.dma_semaphore, #tpu.memory_space<semaphore_mem>>) src(%arg8 : memref<128x128xf32, #tpu.memory_space<vmem>>) dst(%dma_wait3A_33 : memref<128x128xf32, #tpu.memory_space<hbm>>)
    %dma_wait3A_34 = arith.constant 0 : i32
    %dma_wait3A_35 = arith.constant 0 : i32
    %dma_wait3A_36 = tpu.memref_slice %arg4[%dma_wait3A_34, %dma_wait3A_35] : memref<204800x128xf32, #tpu.memory_space<hbm>> -> memref<128x128xf32, #tpu.memory_space<hbm>>
    %dma_wait3A_37 = arith.constant 0 : i32
    %dma_wait3A_38 = arith.constant 0 : i32
    %dma_wait3A_39 = tpu.memref_slice %arg4[%dma_wait3A_37, %dma_wait3A_38] : memref<204800x128xf32, #tpu.memory_space<hbm>> -> memref<128x128xf32, #tpu.memory_space<hbm>>
    tpu.wait_dma2 semaphore(%arg19 : memref<!tpu.dma_semaphore, #tpu.memory_space<semaphore_mem>>) src(%arg9 : memref<128x128xf32, #tpu.memory_space<vmem>>) dst(%dma_wait3A_39 : memref<128x128xf32, #tpu.memory_space<hbm>>)
    %dma_wait3A_40 = arith.constant 0 : i32
    %dma_wait3A_41 = arith.constant 0 : i32
    %dma_wait3A_42 = tpu.memref_slice %arg4[%dma_wait3A_40, %dma_wait3A_41] : memref<204800x128xf32, #tpu.memory_space<hbm>> -> memref<128x128xf32, #tpu.memory_space<hbm>>
    %dma_wait3A_43 = arith.constant 0 : i32
    %dma_wait3A_44 = arith.constant 0 : i32
    %dma_wait3A_45 = tpu.memref_slice %arg4[%dma_wait3A_43, %dma_wait3A_44] : memref<204800x128xf32, #tpu.memory_space<hbm>> -> memref<128x128xf32, #tpu.memory_space<hbm>>
    tpu.wait_dma2 semaphore(%arg20 : memref<!tpu.dma_semaphore, #tpu.memory_space<semaphore_mem>>) src(%arg10 : memref<128x128xf32, #tpu.memory_space<vmem>>) dst(%dma_wait3A_45 : memref<128x128xf32, #tpu.memory_space<hbm>>)
    return
  }
}

</mosaic_0001>

<sc_bundles>
// kernel: kernel.3.cloned.1.call-start
scs
__scs_entry_jumppad:
0x0: {  	(pc) =	sbr.rel $0x88, $3  }
0x1: {  	(tag) =	ssettag $0x0;
	lr =	simm.s32 $0x1  }
0x2: {  	[smem:$0x3F9F] =	sst lr;
	_ =	strace $0xD0000000  }
0x3: {  	_ = 	snop  }
0x4: {  	_ = 	snop  }
0x5: {  	_ = 	snop  }
0x6: {  	_ = 	snop  }
0x7: {  	_ = 	snop  }
__scs_overlays_trampoline_lowered:
0x8: {  	[smem:$0x3FAE] =	sst s0  }
0x9: {  	[smem:$0x3FAF] =	sst s1  }
0xa: {  	[smem:$0x3FB0] =	sst s2  }
0xb: {  	[smem:$0x3FB1] =	sst s3  }
0xc: {  	[smem:$0x3FB2] =	sst s4  }
0xd: {  	[smem:$0x3FB3] =	sst s5  }
0xe: {  	[smem:$0x3FB4] =	sst s6  }
0xf: {  	[smem:$0x3FB5] =	sst s7  }
0x10: {  	[smem:$0x3FB6] =	sst s8  }
0x11: {  	[smem:$0x3FB7] =	sst s9;
	s0 =	simm.s32 @!p0 $0x0  }
0x12: {  	s1 =	sld [smem:$0x3F9D];
	s0 =	simm.s32 @p0 $0x1  }
0x13: {  	[smem:$0x3FB8] =	sst s0;
	s0 =	simm.s32 @!p1 $0x0  }
0x14: {  	s2 =	sld [smem:$0x3F9C];
	s0 =	simm.s32 @p1 $0x1  }
0x15: {  	[smem:$0x3FB9] =	sst s0;
	s0 =	simm.s32 @!p2 $0x0  }
0x16: {  	s3 =	sld [smem:$0x3FDB];
	s0 =	simm.s32 @p2 $0x1  }
0x17: {  	s4 =	simm.s32 $0x1BF5;
	[smem:$0x3FBB] =	sst s0  }
0x18: {  	s0 =	sld [smem:$0x3F9E];
	_ =	swait.ge [sflag:s4], $0x0  }
0x19: {  	s7 =	sld [smem:$0x3F9F]  }
0x1a: {  	s8 =	sadd.s32 $0xFFFFE003, lr  }
0x1b: {  	s9 =	sadd.s32 $0xFFFFFEF7, lr;
	s5 =	simm.s32 $0xFFFFFFFF;
	p2 =	slt.u32 s8, $0xFFFFF086  }
0x1c: {  	p1 =	slt.u32 s9, $0xF7A;
	s5 =	simm.s32 @!p2 $0x0  }
0x1d: {  	s5 =	simm.s32 @p1 $0x1;
	p0 =	seq.s32 s7, s2  }
0x1e: {  	s7 =	smul.u32 @!p0 $0xF7A, s2;
	p2 =	seq.s32 @!p0 s5, $0x0  }
0x1f: {  	s9 =	smul.u32 $0xF7A, s1;
	s8 =	simm.s32 @!p0 $0x1BF5;
	p2 =	por !p2, p0  }
0x20: {  	[sflag:s8] =	ssyncset.s32 @!p0 $0xFFFFF086;
	s6 =	sadd.s32 @!p0 s3, s7;
	s7 =	simm.s32 @!p0 $0x108  }
0x21: {  	s3 =	sadd.s32 s3, s9;
	s6 =	sadd.s32 @!p0 $0x88, s6;
	s7 =	simm.s32 @p2 $0x1082  }
0x22: {  	[simem:s7], [sflag:s8] =	dma.local @!p0 [hbm:s6], $0xF7A  }
0x23: {  	s9 =	sor.u32 $0xD0000000, s2;
	s6 =	simm.s32 $0x108;
	_ =	swait.ge @!p0 [sflag:s8], $0x0  }
0x24: {  	s3 =	sadd.s32 $0x88, s3;
	s6 =	simm.s32 @!p1 $0x1082;
	[sflag:s4] =	ssyncset.s32 $0xFFFFF086  }
0x25: {  	[simem:s6], [sflag:s4] =	dma.local [hbm:s3], $0xF7A  }
0x26: {  	[smem:$0x3F9F] =	sst s1;
	(tag) =	ssettag s2;
	_ =	strace s9  }
0x27: {  	s1 =	sld [smem:$0x3FAF]  }
0x28: {  	s2 =	sld [smem:$0x3FB0]  }
0x29: {  	s4 =	sld [smem:$0x3FB2]  }
0x2a: {  	p0 =	seq.s32 s5, $0x0;
	s5 =	sld [smem:$0x3FB3]  }
0x2b: {  	s6 =	sld [smem:$0x3FB4]  }
0x2c: {  	s7 =	sld [smem:$0x3FB5]  }
0x2d: {  	s3 =	simm.s32 $0x108;
	s8 =	sld [smem:$0x3FB6]  }
0x2e: {  	s3 =	simm.s32 @!p0 $0x1082;
	s9 =	sld [smem:$0x3FB7]  }
0x2f: {  	lr =	sadd.s32 s0, s3;
	s0 =	sld [smem:$0x3FAE]  }
0x30: {  	s3 =	sld [smem:$0x3FB1]  }
0x31: {  	[smem:$0x3FBA] =	sst s10  }
0x32: {  	s10 =	sld [smem:$0x3FB8];
	_ =	sdelay $0x3  }
0x33: {  	p0 =	seq.s32 s10, $0x1;
	s10 =	sld [smem:$0x3FBA];
	_ =	sdelay $0x3  }
0x34: {  	[smem:$0x3FBA] =	sst s10  }
0x35: {  	s10 =	sld [smem:$0x3FB9];
	_ =	sdelay $0x3  }
0x36: {  	p1 =	seq.s32 s10, $0x1;
	s10 =	sld [smem:$0x3FBA];
	_ =	sdelay $0x3  }
0x37: {  	[smem:$0x3FBA] =	sst s10  }
0x38: {  	s10 =	sld [smem:$0x3FBB]  }
0x39: {  	_ = 	snop;
	(pc) =	sbr.ind lr, $3  }
0x3a: {  	_ = 	snop  }
0x3b: {  	_ = 	snop  }
0x3c: {  	p2 =	seq.s32 s10, $0x1;
	s10 =	sld [smem:$0x3FBA]  }
0x3d: {  	_ =	shalt  }
0x3e: {  	_ =	shalt  }
0x3f: {  	_ =	shalt  }
0x40: {  	_ =	shalt  }
0x41: {  	_ =	shalt  }
0x42: {  	_ =	shalt  }
0x43: {  	_ =	shalt  }
0x44: {  	_ =	shalt  }
0x45: {  	_ =	shalt  }
0x46: {  	_ =	shalt  }
0x47: {  	_ =	shalt  }
0x48: {  	_ =	shalt  }
0x49: {  	_ =	shalt  }
0x4a: {  	_ =	shalt  }
0x4b: {  	_ =	shalt  }
0x4c: {  	_ =	shalt  }
0x4d: {  	_ =	shalt  }
0x4e: {  	_ =	shalt  }
0x4f: {  	_ =	shalt  }
0x50: {  	_ =	shalt  }
0x51: {  	_ =	shalt  }
0x52: {  	_ =	shalt  }
0x53: {  	_ =	shalt  }
0x54: {  	_ =	shalt  }
0x55: {  	_ =	shalt  }
0x56: {  	_ =	shalt  }
0x57: {  	_ =	shalt  }
0x58: {  	_ =	shalt  }
0x59: {  	_ =	shalt  }
0x5a: {  	_ =	shalt  }
0x5b: {  	_ =	shalt  }
0x5c: {  	_ =	shalt  }
0x5d: {  	_ =	shalt  }
0x5e: {  	_ =	shalt  }
0x5f: {  	_ =	shalt  }
0x60: {  	_ =	shalt  }
0x61: {  	_ =	shalt  }
0x62: {  	_ =	shalt  }
0x63: {  	_ =	shalt  }
0x64: {  	_ =	shalt  }
0x65: {  	_ =	shalt  }
0x66: {  	_ =	shalt  }
0x67: {  	_ =	shalt  }
0x68: {  	_ =	shalt  }
0x69: {  	_ =	shalt  }
0x6a: {  	_ =	shalt  }
0x6b: {  	_ =	shalt  }
0x6c: {  	_ =	shalt  }
0x6d: {  	_ =	shalt  }
0x6e: {  	_ =	shalt  }
0x6f: {  	_ =	shalt  }
0x70: {  	_ =	shalt  }
0x71: {  	_ =	shalt  }
0x72: {  	_ =	shalt  }
0x73: {  	_ =	shalt  }
0x74: {  	_ =	shalt  }
0x75: {  	_ =	shalt  }
0x76: {  	_ =	shalt  }
0x77: {  	_ =	shalt  }
0x78: {  	_ =	shalt  }
0x79: {  	_ =	shalt  }
0x7a: {  	_ =	shalt  }
0x7b: {  	_ =	shalt  }
0x7c: {  	_ =	shalt  }
0x7d: {  	_ =	shalt  }
0x7e: {  	_ =	shalt  }
0x7f: {  	_ =	shalt  }
0x80: {  	_ =	shalt  }
0x81: {  	_ =	shalt  }
0x82: {  	_ =	shalt  }
0x83: {  	_ =	shalt  }
0x84: {  	_ =	shalt  }
0x85: {  	_ =	shalt  }
0x86: {  	_ =	shalt  }
0x87: {  	_ =	shalt  }
.Lfunc_end0:
.L_simem_size_0:
called_computation_lowered:
.L_overlay_start_0:
0x88: {  	s2 =	sld [smem:$0x3FD9]  }
0x89: {  	s3 =	sld [smem:$0x3FFE];
	_ =	sdelay $0x1  }
0x8a: {  	s1 =	srdreg.scid  }
0x8b: {  	s0 =	sand.u32 $0x1, s1  }
0x8c: {  	s14 =	sshll.u32 s0, $0xA;
	s2 =	sadd.s32 s3, s2  }
0x8d: {  	s2 =	sadd.s32 s2, s14  }
0x8e: {  	[smem:$0x3FC6] =	sst s2  }
0x8f: {  	_ = 	snop  }
0x90: {  	s2 =	sld [smem:$0x3FD0];
	_ =	sdelay $0x2  }
0x91: {  	s4 =	simm.s32 $0xA;
	s5 =	simm.s32 $0x10;
	s15 =	sld [smem:$0x3FC8]  }
0x92: {  	[smem:s5], [sflag:s4] =	dma.local [hbm:s2], $0x1  }
0x93: {  	_ =	swait.eq [sflag:s4], $0x1  }
0x94: {  	[sflag:s4] =	ssyncset.done $0x0  }
0x95: {  	[sflag:s4] =	ssyncadd.s32 $0xFFFFFFFF  }
0x96: {  	s16 =	sld [smem:$0x10];
	(tm) =	ssettm $0x1  }
0x97: {  	s17 =	sld [smem:$0x3FFB];
	_ =	sdelay $0x3  }
0x98: {  	_ =	strace s17  }
0x99: {  	s4 =	sld [smem:$0x3FFC];
	_ =	sdelay $0x3  }
0x9a: {  	_ =	strace s4  }
0x9b: {  	s4 =	sld [smem:$0x3FFD];
	_ =	sdelay $0x3  }
0x9c: {  	_ =	strace s4  }
0x9d: {  	_ =	strace $0x8FFFFFFF  }
0x9e: {  	s18 =	sld [smem:$0x3FDB];
	_ =	sdelay $0x1  }
0x9f: {  	s19 =	simm.s32 $_scs_section_size  }
0xa0: {  	s6 =	simm.s32 $_size__tile_overlayer_lowered;
	s7 =	simm.s32 $_tile_overlayer_lowered  }
0xa1: {  	s22 =	simm.s32 $0x1BFF;
	s21 =	sshll.u32 s7, $0x1;
	s4 =	sadd.s32 s19, s18  }
0xa2: {  	s8 =	simm.s32 $0x0;
	s20 =	sshll.u32 s6, $0x1;
	s6 =	sadd.s32 s21, s4  }
0xa3: {  	[timem:s8], [sflag:s22] =	dma.local [hbm:s6], s20  }
0xa4: {  	_ =	swait.ge [sflag:s22], s20  }
0xa5: {  	s5 =	ssub.s32 $0x0, s20;
	[sflag:s22] =	ssyncset.done $0x0  }
0xa6: {  	[sflag:s22] =	ssyncadd.s32 s5;
	_ =	sdelay $0x1  }
0xa7: {  	s23 =	simm.s32 $0x1B8B  }
0xa8: {  	_ =	swait.ge [sflag:s23], $0x1  }
0xa9: {  	[sflag:s23] =	ssyncset.done $0x0  }
0xaa: {  	s25 =	simm.s32 $0x1B8E;
	s24 =	sld [smem:$0x3FFE];
	[sflag:s23] =	ssyncadd.s32 $0xFFFFFFFF  }
0xab: {  	s26 =	simm.s32 $execute0_lowered;
	[smem:$0x3FD2] =	sst s25  }
0xac: {  	s6 =	sshll.u32 s26, $0x1;
	_ =	strace $0x80000046;
	[dreg:$0x1] =	wrdreg $0xFFFFFFFF  }
0xad: {  	s28 =	simm.s32 $_size_execute0_lowered;
	s4 =	sadd.s32 s4, s6;
	[dreg:$0x0] =	wrdreg $0x0  }
0xae: {  	s6 =	sshll.u32 s28, $0x1;
	[dreg:$0x2] =	wrdreg s4  }
0xaf: {  	[dreg:$0x3] =	wrdreg s6  }
0xb0: {  	[dreg:$0x4] =	wrdreg $0xC0  }
0xb1: {  	_ =	task [dreg:s8], $0x5FFFF  }
0xb2: {  	[dreg:$0x1] =	wrdreg $0xFFFFFFFF  }
0xb3: {  	[dreg:$0x0] =	wrdreg $0x60  }
0xb4: {  	[dreg:$0x2] =	wrdreg s24  }
0xb5: {  	[dreg:$0x3] =	wrdreg s15  }
0xb6: {  	[dreg:$0x4] =	wrdreg s16  }
0xb7: {  	[dreg:$0x5] =	wrdreg $0x9  }
0xb8: {  	_ =	task.clear_ibuf [dreg:s8], $0x6FFFF;
	_ =	strace $0x90000046  }
0xb9: {  	s29 =	simm.s32 $0x9;
	_ =	strace $0x80000048  }
0xba: {  	_ =	swait.ge [sflag:s29], $0x1  }
0xbb: {  	[sflag:s29] =	ssyncadd.s32 $0xFFFFFFFF  }
0xbc: {  	_ =	strace $0x90000048  }
0xbd: {  	_ =	sfence  }
0xbe: {  	s30 =	sld [smem:$0x0];
	_ =	sdelay $0x2  }
0xbf: {  	s31 =	sshll.u32 s1, $0xD;
	s1 =	sshrl.u32 s1, $0x2  }
0xc0: {  	s3 =	sand.u32 $0x4000, s31;
	s1 =	sadd.s32 s1, s30  }
0xc1: {  	s0 =	sor.u32 s3, s0;
	s1 =	sshll.u32 s1, $0x11  }
0xc2: {  	s0 =	sor.u32 s1, s0  }
0xc3: {  	s0 =	sadd.s32 $0x8F2B, s0  }
0xc4: {  	[sflag:s0] =	ssyncadd.remote.s32 $0x1  }
0xc5: {  	_ =	sfence.sel $0xFFFF  }
0xc6: {  	[dreg:$0x0] =	wrdreg $0xFFFFFFFF;
	(pc) =	sbr.abs _section_cstart, $3  }
0xc7: {  	[dreg:$0x1] =	wrdreg $0xFFFFFFFF  }
0xc8: {  	_ =	task.clear_ibuf [dreg:s8], $0x2FFFF;
	_ =	strace $0x9FFFFFFF  }
0xc9: {  	(tm) =	ssettm $0x7FFFFFFF  }
tec
execute0_lowered:
.L_overlay_start_1:
0x0: {  	(tag) =	ssettag $0x1  }
0x1: {  	s4 =	rddreg [dreg:$0x0]  }
0x2: {  	s1 =	srdreg.scid;
	s2 =	rddreg [dreg:$0x1]  }
0x3: {  	s0 =	stileid.u32;
	s6 =	rddreg [dreg:$0x2]  }
0x4: {  	s3 =	simm.s32 $0x0;
	s11 =	simm.s32 $0x1;
	s12 =	simm.s32 $0x9900  }
0x5: {  	s13 =	simm.s32 $0x2;
	s14 =	simm.s32 $0xD900;
	s15 =	simm.s32 $0x3  }
0x6: {  	s16 =	simm.s32 $0x11900;
	s17 =	simm.s32 $0x4;
	s18 =	simm.s32 $0x5  }
0x7: {  	s19 =	simm.s32 $0x6;
	s20 =	simm.s32 $0x7;
	s21 =	simm.s32 $0x8  }
0x8: {  	s22 =	simm.s32 $0x9;
	s23 =	simm.s32 $0xA;
	s5 =	sand.u32 $0x1, s1  }
0x9: {  	s30 =	sshll.u32 s0, $0x1;
	s1 =	rddreg [dreg:$0x3];
	s8 =	smul.u32 $0x32000, s0  }
0xa: {  	s7 =	sor.u32 s5, s30;
	s9 =	ssub.s32 $0x2, s5;
	s5 =	smul.u32 $0x19000, s5  }
0xb: {  	s24 =	simm.s32 $0x0;
	[smem:$0x7FF] =	sst s3;
	s7 =	smul.u32 $0x1900, s7  }
.Ltmp0:
0xc: {  	_ =	strace $0x80000047;
	s10 =	sshrl.u32 s9, $0x1;
	(pc) =	sbr.rel .LBB2_1-.Ltmp0, $4  }
0xd: {  	s6 =	sadd.s32 s8, s6;
	s8 =	simm.s32 $0x80;
	s31 =	ssub.s32 s9, s10  }
0xe: {  	s6 =	sadd.s32 s5, s6;
	s9 =	simm.s32 $0x1900;
	s7 =	sshrl.u32 s7, $0x3  }
0xf: {  	s10 =	simm.s32 $0x5900;
	s5 =	smax.u32 s31, $0x1;
	s4 =	sadd.s32 s7, s4  }
0x10: {  	s6 =	sadd.s32 $0x2000, s6;
	s7 =	simm.s32 $0xB;
	s4 =	sadd.s32 $0x600, s4  }
.LBB2_4:
0x11: {  	_ =	swait.ge [sflag:s18], $0x4000  }
0x12: {  	[sflag:s18] =	ssyncset.done $0x0  }
0x13: {  	[sflag:s18] =	ssyncadd.s32 $0xFFFFC000  }
0x14: {  	[hbm4b:s25+s3] =	stream.linear.scatter [tilespmem:s16], [sflag:$0xA], $0x4000, $0x38;
	[tilespmem:$0x15900] =	vst v63  }
0x15: {  	_ =	swait.ge [sflag:s19], $0x4000  }
0x16: {  	[sflag:s19] =	ssyncset.done $0x0  }
0x17: {  	[sflag:s19] =	ssyncadd.s32 $0xFFFFC000  }
0x18: {  	_ =	swait.ge [sflag:s20], $0x4000  }
0x19: {  	[sflag:s20] =	ssyncset.done $0x0  }
0x1a: {  	[sflag:s20] =	ssyncadd.s32 $0xFFFFC000  }
0x1b: {  	_ =	swait.ge [sflag:s21], $0x4000  }
0x1c: {  	[sflag:s21] =	ssyncset.done $0x0  }
0x1d: {  	s24 =	sadd.s32 $0x1, s24;
	[sflag:s21] =	ssyncadd.s32 $0xFFFFC000  }
0x1e: {  	p0 =	sne.s32 s24, s5;
	_ =	swait.ge [sflag:s22], $0x4000  }
.Ltmp1:
0x1f: {  	[sflag:s22] =	ssyncset.done $0x0;
	(pc) =	sbr.rel @!p0 .LBB2_5-.Ltmp1, $4  }
0x20: {  	[sflag:s22] =	ssyncadd.s32 $0xFFFFC000  }
0x21: {  	_ =	swait.ge [sflag:s23], $0x4000  }
0x22: {  	[sflag:s23] =	ssyncset.done $0x0  }
0x23: {  	[sflag:s23] =	ssyncadd.s32 $0xFFFFC000  }
.LBB2_1:
0x24: {  	[tilespmem:s3], [sflag:$0xB] =	stream.linear.gather [hbm4b:s4+s3], $0x1900, $0x38;
	[tilespmem:$0x15900] =	vst v63  }
0x25: {  	_ =	swait.ge [sflag:s7], $0x1900  }
0x26: {  	[sflag:s7] =	ssyncset.done $0x0  }
0x27: {  	[sflag:s7] =	ssyncadd.s32 $0xFFFFE700  }
0x28: {  	[tilespmem:s9], [sflag:$0x1] =	stream.indirect.gather [hbm4b:s2+s8], $0x80, s3, s8, $0xb8;
	[tilespmem:$0x15900] =	vst v63  }
0x29: {  	s25 =	smov.u32 s6;
	s26 =	simm.s32 $0x0  }
0x2a: {  	[tilespmem:s10], [sflag:$0x2] =	stream.indirect.gather [hbm4b:s2+s8], $0x80, s8, s8, $0xb8;
	[tilespmem:$0x15900] =	vst v63  }
.LBB2_2:
0x2b: {  	_ =	swait.ge [sflag:s11], $0x4000  }
0x2c: {  	p0 =	seq.s32 s26, $0x0;
	[sflag:s11] =	ssyncset.done $0x0  }
0x2d: {  	s28 =	sadd.s32 $0xFFFFE000, s25;
	s29 =	simm.s32 @!p0 $0x8;
	[sflag:s11] =	ssyncadd.s32 $0xFFFFC000  }
0x2e: {  	[hbm4b:s28+s3] =	stream.linear.scatter [tilespmem:s9], [sflag:$0x6], $0x4000, $0x38;
	[tilespmem:$0x15900] =	vst v63  }
0x2f: {  	_ =	swait.ge @!p0 [sflag:s29], $0x4000  }
0x30: {  	s28 =	sshra.s32 s26, $0x2;
	[sflag:s29] =	ssyncset.done @!p0 $0x0  }
0x31: {  	s30 =	sadd.s32 $0x100, s28;
	[sflag:s29] =	ssyncadd.s32 @!p0 $0xFFFFC000  }
0x32: {  	[tilespmem:s12], [sflag:$0x3] =	stream.indirect.gather [hbm4b:s2+s8], $0x80, s30, s8, $0xb8;
	[tilespmem:$0x15900] =	vst v63  }
0x33: {  	_ =	swait.ge [sflag:s13], $0x4000  }
0x34: {  	[sflag:s13] =	ssyncset.done $0x0  }
0x35: {  	s31 =	sadd.s32 $0xFFFFE800, s25;
	s29 =	simm.s32 @!p0 $0x9;
	[sflag:s13] =	ssyncadd.s32 $0xFFFFC000  }
0x36: {  	[hbm4b:s31+s3] =	stream.linear.scatter [tilespmem:s10], [sflag:$0x7], $0x4000, $0x38;
	[tilespmem:$0x15900] =	vst v63  }
0x37: {  	_ =	swait.ge @!p0 [sflag:s29], $0x4000  }
0x38: {  	[sflag:s29] =	ssyncset.done @!p0 $0x0  }
0x39: {  	s30 =	sadd.s32 $0x180, s28;
	[sflag:s29] =	ssyncadd.s32 @!p0 $0xFFFFC000  }
0x3a: {  	[tilespmem:s14], [sflag:$0x4] =	stream.indirect.gather [hbm4b:s2+s8], $0x80, s30, s8, $0xb8;
	[tilespmem:$0x15900] =	vst v63  }
0x3b: {  	_ =	swait.ge [sflag:s15], $0x4000  }
0x3c: {  	[sflag:s15] =	ssyncset.done $0x0  }
0x3d: {  	s31 =	sadd.s32 $0xFFFFF000, s25;
	s29 =	simm.s32 @!p0 $0xA;
	[sflag:s15] =	ssyncadd.s32 $0xFFFFC000  }
0x3e: {  	[hbm4b:s31+s3] =	stream.linear.scatter [tilespmem:s12], [sflag:$0x8], $0x4000, $0x38;
	[tilespmem:$0x15900] =	vst v63  }
0x3f: {  	_ =	swait.ge @!p0 [sflag:s29], $0x4000  }
0x40: {  	[sflag:s29] =	ssyncset.done @!p0 $0x0  }
0x41: {  	s30 =	sadd.s32 $0x200, s28;
	[sflag:s29] =	ssyncadd.s32 @!p0 $0xFFFFC000;
	p0 =	seq.s32 s26, $0x5A00  }
0x42: {  	[tilespmem:s16], [sflag:$0x5] =	stream.indirect.gather [hbm4b:s2+s8], $0x80, s30, s8, $0xb8;
	[tilespmem:$0x15900] =	vst v63  }
.Ltmp2:
0x43: {  	_ = 	snop;
	(pc) =	sbr.rel @p0 .LBB2_4-.Ltmp2, $4  }
0x44: {  	_ =	swait.ge [sflag:s17], $0x4000  }
0x45: {  	[sflag:s17] =	ssyncset.done $0x0  }
0x46: {  	s31 =	sadd.s32 $0xFFFFF800, s25;
	[sflag:s17] =	ssyncadd.s32 $0xFFFFC000  }
0x47: {  	[hbm4b:s31+s3] =	stream.linear.scatter [tilespmem:s14], [sflag:$0x9], $0x4000, $0x38;
	[tilespmem:$0x15900] =	vst v63  }
0x48: {  	_ =	swait.ge [sflag:s19], $0x4000  }
0x49: {  	[sflag:s19] =	ssyncset.done $0x0  }
0x4a: {  	s29 =	sadd.s32 $0x280, s28;
	[sflag:s19] =	ssyncadd.s32 $0xFFFFC000  }
0x4b: {  	[tilespmem:s9], [sflag:$0x1] =	stream.indirect.gather [hbm4b:s2+s8], $0x80, s29, s8, $0xb8;
	[tilespmem:$0x15900] =	vst v63  }
0x4c: {  	_ =	swait.ge [sflag:s18], $0x4000  }
0x4d: {  	[sflag:s18] =	ssyncset.done $0x0  }
0x4e: {  	[sflag:s18] =	ssyncadd.s32 $0xFFFFC000  }
0x4f: {  	[hbm4b:s25+s3] =	stream.linear.scatter [tilespmem:s16], [sflag:$0xA], $0x4000, $0x38;
	[tilespmem:$0x15900] =	vst v63  }
.Ltmp3:
0x50: {  	_ = 	snop;
	(pc) =	sbr.rel .LBB2_2-.Ltmp3, $4  }
0x51: {  	_ =	swait.ge [sflag:s20], $0x4000  }
0x52: {  	s31 =	sadd.s32 $0x300, s28;
	[sflag:s20] =	ssyncset.done $0x0  }
0x53: {  	s26 =	sadd.s32 $0xA00, s26;
	s25 =	sadd.s32 $0x2800, s25;
	[sflag:s20] =	ssyncadd.s32 $0xFFFFC000  }
0x54: {  	[tilespmem:s10], [sflag:$0x2] =	stream.indirect.gather [hbm4b:s2+s8], $0x80, s31, s8, $0xb8;
	[tilespmem:$0x15900] =	vst v63  }
.LBB2_5:
0x55: {  	_ =	sfence.sel $0x180000  }
0x56: {  	[bflag:$0x0] =	sbarrier.arrive $0xFFFF  }
0x57: {  	p0 =	sne.s32 s0, $0x0;
	_ =	strace $0x90000047  }
0x58: {  	s0 =	sadd.s32 @!p0 $0x100000, s1;
	[bflag:$0x2] =	sbarrier.arrive $0xFFFF  }
0x59: {  	[sflag:s0] =	ssyncadd.tile.s32 @!p0 $0x1;
	_ =	shalt  }
.Lfunc_end2:
_tile_overlayer_lowered:
.L_overlay_start_2:
0x5a: {  	(tag) =	ssettag $0x2  }
0x5b: {  	s0 =	rddreg [dreg:$0x0];
	s2 =	stileid.u32  }
0x5c: {  	s1 =	rddreg [dreg:$0x1];
	p0 =	sne.s32 s2, $0x0  }
0x5d: {  	s3 =	rddreg [dreg:$0x2];
	[bflag:$0x3] =	sbarrier.arrive $0xFFFF;
	s2 =	simm.s32 @!p0 $0x1C0B  }
0x5e: {  	[timem:s3], [sflag:s2] =	dma.local @!p0 [hbm:s0], s1  }
0x5f: {  	s0 =	simm.s32 @!p0 $0xB  }
0x60: {  	_ =	swait.ge @!p0 [sflag:s0], s1  }
0x61: {  	s1 =	ssub.s32 @!p0 $0x0, s1;
	[sflag:s0] =	ssyncset.done @!p0 $0x0  }
0x62: {  	[sflag:s0] =	ssyncadd.s32 @!p0 s1  }
0x63: {  	[bflag:$0x3] =	sbarrier.arrive $0xFFFF  }
0x64: {  	_ =	shalt  }

</sc_bundles>
